<compile_context>
chip_gen: v7x
topology: tpu7x:2x2x1
jax: 0.10.2.dev20260603
libtpu: 0.0.44.dev20260713+nightly
codegen_flags: <defaults>
</compile_context>

<pallas_src>
import jax
import jax.numpy as jnp
from jax.experimental import pallas as pl

_FG = 1
_POS_IOU = 0.2
_ENT_THR = 0.1
_RM_THR = 0.9
_THETA = 0.1

_INTERPRET = False


def _max_body(x_ref, o_ref):
    o_ref[...] = jnp.max(x_ref[...], axis=-1, keepdims=True)[None]


def _loss_body(gmat_ref, pjg_ref, gjg_ref, target_row_ref, gts_row_ref,
               gts_col_ref, u_ref, iou_out_ref, cls_out_ref):
    n = pjg_ref.shape[0]
    m = gmat_ref.shape[0]
    c = gmat_ref.shape[1] - 2

    lane = jax.lax.broadcasted_iota(jnp.int32, (n, m), 1)
    p_onehot = (pjg_ref[...] == lane).astype(jnp.float32)
    g = jnp.dot(p_onehot, gmat_ref[...],
                preferred_element_type=jnp.float32)
    mp = g[:, 0:1]
    preds_iou = g[:, 1:2]
    logits = g[:, 2:]

    t_onehot = (gjg_ref[...] == lane).astype(jnp.float32)
    tid = jnp.sum(t_onehot * target_row_ref[...], axis=1, keepdims=True)
    cls = tid.astype(jnp.int32)

    removed = (mp < _ENT_THR) & (u_ref[...] < _RM_THR)
    gts_iou_col = gts_col_ref[...]
    w = jnp.where(removed, 0.0,
                  jnp.where(gts_iou_col < _POS_IOU, 1.0, 2.0))
    wsum = jnp.sum(w) + 0.0001

    mx = jnp.max(logits, axis=1, keepdims=True)
    lse = mx + jnp.log(jnp.sum(jnp.exp(logits - mx), axis=1, keepdims=True))
    lane_c = jax.lax.broadcasted_iota(jnp.int32, (n, c), 1)
    picked = jnp.sum(jnp.where(lane_c == cls, logits, 0.0), axis=1,
                     keepdims=True)
    cls_l = lse - picked
    cls_loss = jnp.sum(cls_l * w) / wsum

    d = jnp.abs(preds_iou - gts_row_ref[...])
    f = jnp.where(d < _THETA, d * d * (1.0 / (2.0 * _THETA)),
                  d - 0.5 * _THETA)
    iou_num = jnp.sum(jnp.dot(f, w, preferred_element_type=jnp.float32))
    iou_loss = iou_num / wsum

    iou_out_ref[...] = jnp.reshape(iou_loss, (1, 1))
    cls_out_ref[...] = jnp.reshape(cls_loss, (1, 1))


@jax.jit
def kernel(cls_logits, iou_scores, map_ious, pred_mask_prob, target_ids,
           map_indices):
    bs, ch, c = cls_logits.shape
    hw = pred_mask_prob.shape[2] * pred_mask_prob.shape[3]
    rows = bs * ch

    pm = pred_mask_prob.reshape(rows, hw)
    r_blk = 16
    nblk = rows // r_blk
    mx = pl.pallas_call(
        _max_body,
        grid=(nblk,),
        in_specs=[pl.BlockSpec((r_blk, hw), lambda i: (i, 0))],
        out_specs=pl.BlockSpec((1, r_blk, 1), lambda i: (i, 0, 0)),
        out_shape=jax.ShapeDtypeStruct((nblk, r_blk, 1), jnp.float32),
        interpret=_INTERPRET,
    )(pm)
    maxprob = mx.reshape(rows)

    pj = map_indices[:, 0, _FG:].astype(jnp.int32)
    gj = map_indices[:, 1, _FG:].astype(jnp.int32)
    off = (jnp.arange(bs, dtype=jnp.int32) * ch)[:, None]
    pjg = (pj + off).reshape(-1, 1)
    gjg = (gj + off).reshape(-1, 1)
    gmat = jnp.concatenate(
        [maxprob[:, None], iou_scores.reshape(rows, 1),
         cls_logits.reshape(rows, c)], axis=1)
    target_row = target_ids.astype(jnp.float32).reshape(1, rows)
    iou = map_ious[:, _FG:].astype(jnp.float32)
    gts_col = iou.reshape(-1, 1)
    gts_row = iou.reshape(1, -1)
    u = jax.random.uniform(jax.random.key(42), pj.shape, dtype=jnp.float32)
    u_col = u.reshape(-1, 1)

    iou_loss, cls_loss = pl.pallas_call(
        _loss_body,
        out_shape=[jax.ShapeDtypeStruct((1, 1), jnp.float32),
                   jax.ShapeDtypeStruct((1, 1), jnp.float32)],
        interpret=_INTERPRET,
    )(gmat, pjg, gjg, target_row, gts_row, gts_col, u_col)
    return (iou_loss[0, 0], cls_loss[0, 0])

# --- scband reference (transcript-rebuilt; emitter-appended) ---
"""Pipeline reference for scband-classify-mcloss-90726889161276 (READ-ONLY COPY).

The authoritative reference and input builder live on the scoring server;
editing this copy changes nothing except your own understanding.
"""

import jax, jax.numpy as jnp
import numpy as np

FG_STCH = 1
CLS_POS_IOU_THR = 0.2
ENTITY_PROB_THR = 0.1
REMOVE_THR = 0.9


def adjust_smooth_l1_loss(y_pred, theta=0.1):
    less_grad_factor = 1.0 / (2 * theta)
    less_loss_bias = less_grad_factor * theta ** 2
    less_than_theta = (y_pred < theta).astype(y_pred.dtype)
    return less_than_theta * y_pred ** 2 * less_grad_factor + (1 - less_than_theta) * (y_pred - theta + less_loss_bias)


def setup_inputs(seed: int = 0) -> dict:
    key = jax.random.key(seed)
    k1, k2, k3, k4, k5, k6 = jax.random.split(key, 6)
    bs, ch, num_classes, ht, wd = 16, 100, 81, 128, 128
    return {
        'cls_logits': jax.random.normal(k1, (bs, ch, num_classes), dtype=jnp.float32),
        'iou_scores': jax.random.uniform(k2, (bs, ch, 1), dtype=jnp.float32),
        'map_ious': jax.random.uniform(k3, (bs, ch), dtype=jnp.float32),
        'pred_mask_prob': jax.random.uniform(k4, (bs, ch, ht, wd), dtype=jnp.float32),
        'target_ids': jax.random.randint(k5, (bs, ch), 0, num_classes).astype(jnp.int64),
        'map_indices': jax.random.randint(k6, (bs, 2, ch), 0, ch).astype(jnp.int64),
    }


def reference(cls_logits, iou_scores, map_ious, pred_mask_prob, target_ids, map_indices):
    bs, ch, num_classes = cls_logits.shape
    # class_weights=None at init -> forward sets class_weights_cls = [1.0]*num_classes
    cw = jnp.ones((num_classes,), dtype=jnp.float32)
    # construct_classify_GT, vectorized over (b, k) for k in [fg_stCH, ch)
    pred_mask_maxProb = jnp.max(pred_mask_prob.reshape(bs, ch, -1), axis=-1)  # [bs, ch]
    pj = map_indices[:, 0, FG_STCH:]  # [bs, K]
    gj = map_indices[:, 1, FG_STCH:]  # [bs, K]
    tid = jnp.take_along_axis(target_ids, gj, axis=1)  # [bs, K]
    cls = jnp.maximum(tid * 0, tid - FG_STCH + 1)  # [bs, K]
    iou = map_ious[:, FG_STCH:]  # [bs, K]
    mp = jnp.take_along_axis(pred_mask_maxProb, pj, axis=1)  # [bs, K]
    # torch.rand(1) per element -> deterministic uniform draw with fixed key
    u = jax.random.uniform(jax.random.key(42), mp.shape, dtype=jnp.float32)
    removed = (mp < ENTITY_PROB_THR) & (u < REMOVE_THR)
    w_fg = cw[cls] + cw[0]
    w_neg = jnp.broadcast_to(cw[0], cls.shape)
    w = jnp.where(removed, jnp.zeros_like(w_fg), jnp.where(iou < CLS_POS_IOU_THR, w_neg, w_fg))
    preds_iou = jnp.take_along_axis(iou_scores, pj[..., None], axis=1).reshape(-1, 1)  # [N, 1]
    gts_iou = iou.reshape(-1)  # [N]
    preds_cls = jnp.take_along_axis(cls_logits, pj[..., None], axis=1).reshape(-1, num_classes)  # [N, C]
    gts_cls = cls.reshape(-1)  # [N]
    weights = w.reshape(-1).astype(jnp.float32)  # [N]
    # faithful to torch broadcasting: [N,1] - [N] -> [N,N]
    iou_diff = jnp.abs(preds_iou - gts_iou)
    iou_l = adjust_smooth_l1_loss(iou_diff)
    # CrossEntropyLoss(weight=None, reduction='none')
    logp = jax.nn.log_softmax(preds_cls, axis=-1)
    cls_l = -jnp.take_along_axis(logp, gts_cls[:, None], axis=1)[:, 0]
    wght_sum = weights.sum() + 0.0001
    iou_loss = (iou_l * weights).sum() / wght_sum
    cls_loss = (cls_l * weights).sum() / wght_sum
    return (iou_loss, cls_loss)

if __name__ == "__main__":
    import jax
    _d = setup_inputs()
    print(jax.jit(kernel)(*tuple(_d.values())))

</pallas_src>

<mosaic_0001>
module attributes {stable_mosaic.version = 14 : i64} {
  func.func @_max_body(%arg0: i32, %arg1: memref<16x16384xf32, #tpu.memory_space<vmem>>, %arg2: memref<1x16x1xf32, #tpu.memory_space<vmem>>) attributes {dimension_semantics = [#tpu.dimension_semantics<arbitrary>], iteration_bounds = array<i64: 100>, scalar_prefetch = 0 : i64, scratch_operands = 0 : i64, tpu.core_type = #tpu.core_type<tc>, window_params = [{transform_indices = @transform_0, window_bounds = array<i64: 16, 16384>}, {transform_indices = @transform_1, window_bounds = array<i64: 1, 16, 1>}]} {
    %get3A = arith.constant 0 : index
    %get3A_0 = arith.constant 0 : index
    %get3A_1 = vector.load %arg1[%get3A, %get3A_0] : memref<16x16384xf32, #tpu.memory_space<vmem>>, vector<16x16384xf32>
    %reduce_max3A = arith.constant dense<0xFF800000> : vector<16xf32>
    %reduce_max3A_2 = vector.multi_reduction <maximumf>, %get3A_1, %reduce_max3A [1] : vector<16x16384xf32> to vector<16xf32>
    %broadcast_in_dim3A = vector.shape_cast %reduce_max3A_2 : vector<16xf32> to vector<16x1xf32>
    %broadcast_in_dim3A_3 = vector.shape_cast %broadcast_in_dim3A : vector<16x1xf32> to vector<1x16x1xf32>
    %swap3A = arith.constant 0 : index
    %swap3A_4 = arith.constant 0 : index
    %swap3A_5 = arith.constant 0 : index
    %swap3A_6 = vector.load %arg2[%swap3A, %swap3A_4, %swap3A_5] : memref<1x16x1xf32, #tpu.memory_space<vmem>>, vector<1x16x1xf32>
    tpu.vector_store %arg2[%swap3A, %swap3A_4, %swap3A_5], %broadcast_in_dim3A_3 {strides = array<i32>} : memref<1x16x1xf32, #tpu.memory_space<vmem>>, vector<1x16x1xf32>,
    return
  }
  func.func @transform_0(%arg0: i32) -> (i32, i32) {
    %c0_i32 = arith.constant 0 : i32
    %c0_i32_0 = arith.constant 0 : i32
    return %arg0, %c0_i32 : i32, i32
  }
  func.func @transform_1(%arg0: i32) -> (i32, i32, i32) {
    %c0_i32 = arith.constant 0 : i32
    %c0_i32_0 = arith.constant 0 : i32
    %c0_i32_1 = arith.constant 0 : i32
    return %arg0, %c0_i32, %c0_i32_0 : i32, i32, i32
  }
}

module attributes {stable_mosaic.version = 14 : i64} {
  func.func @_loss_body(%arg0: memref<1600x83xf32, #tpu.memory_space<vmem>>, %arg1: memref<1584x1xi32, #tpu.memory_space<vmem>>, %arg2: memref<1584x1xi32, #tpu.memory_space<vmem>>, %arg3: memref<1x1600xf32, #tpu.memory_space<vmem>>, %arg4: memref<1x1584xf32, #tpu.memory_space<vmem>>, %arg5: memref<1584x1xf32, #tpu.memory_space<vmem>>, %arg6: memref<1584x1xf32, #tpu.memory_space<vmem>>, %arg7: memref<1x1xf32, #tpu.memory_space<vmem>>, %arg8: memref<1x1xf32, #tpu.memory_space<vmem>>) attributes {dimension_semantics = [], scalar_prefetch = 0 : i64, scratch_operands = 0 : i64, tpu.core_type = #tpu.core_type<tc>} {
    %iota3A = tpu.iota {dimensions = array<i32: 1>} : vector<1584x1600xi32>
    %get3A = arith.constant 0 : index
    %get3A_0 = arith.constant 0 : index
    %get3A_1 = vector.load %arg1[%get3A, %get3A_0] : memref<1584x1xi32, #tpu.memory_space<vmem>>, vector<1584x1xi32>
    %eq3A = vector.broadcast %get3A_1 : vector<1584x1xi32> to vector<1584x1600xi32>
    %eq3A_2 = arith.cmpi eq, %eq3A, %iota3A : vector<1584x1600xi32>
    %convert_element_type3A = arith.extui %eq3A_2 : vector<1584x1600xi1> to vector<1584x1600xi32>
    %convert_element_type3A_3 = arith.sitofp %convert_element_type3A : vector<1584x1600xi32> to vector<1584x1600xf32>
    %get3A_4 = arith.constant 0 : index
    %get3A_5 = arith.constant 0 : index
    %get3A_6 = vector.load %arg0[%get3A_4, %get3A_5] : memref<1600x83xf32, #tpu.memory_space<vmem>>, vector<1600x83xf32>
    %dot_general3A = arith.constant dense<0.000000e+00> : vector<1584x83xf32>
    %dot_general3A_7 = tpu.matmul %convert_element_type3A_3, %get3A_6, %dot_general3A {dimension_numbers = #tpu.dot_dimension_numbers<[1], [0], [0], [1], [0, 0, 1, 1], [], []>, transpose_lhs_hint = false} : vector<1584x1600xf32>, vector<1600x83xf32>, vector<1584x83xf32> -> vector<1584x83xf32>
    %slice3A = vector.extract_strided_slice %dot_general3A_7 {offsets = [0, 0], sizes = [1584, 1], strides = [1, 1]} : vector<1584x83xf32> to vector<1584x1xf32>
    %slice3A_8 = vector.extract_strided_slice %dot_general3A_7 {offsets = [0, 1], sizes = [1584, 1], strides = [1, 1]} : vector<1584x83xf32> to vector<1584x1xf32>
    %slice3A_9 = vector.extract_strided_slice %dot_general3A_7 {offsets = [0, 2], sizes = [1584, 81], strides = [1, 1]} : vector<1584x83xf32> to vector<1584x81xf32>
    %get3A_10 = arith.constant 0 : index
    %get3A_11 = arith.constant 0 : index
    %get3A_12 = vector.load %arg2[%get3A_10, %get3A_11] : memref<1584x1xi32, #tpu.memory_space<vmem>>, vector<1584x1xi32>
    %eq3A_13 = vector.broadcast %get3A_12 : vector<1584x1xi32> to vector<1584x1600xi32>
    %eq3A_14 = arith.cmpi eq, %eq3A_13, %iota3A : vector<1584x1600xi32>
    %convert_element_type3A_15 = arith.extui %eq3A_14 : vector<1584x1600xi1> to vector<1584x1600xi32>
    %convert_element_type3A_16 = arith.sitofp %convert_element_type3A_15 : vector<1584x1600xi32> to vector<1584x1600xf32>
    %get3A_17 = arith.constant 0 : index
    %get3A_18 = arith.constant 0 : index
    %get3A_19 = vector.load %arg3[%get3A_17, %get3A_18] : memref<1x1600xf32, #tpu.memory_space<vmem>>, vector<1x1600xf32>
    %mul3A = vector.broadcast %get3A_19 : vector<1x1600xf32> to vector<1584x1600xf32>
    %mul3A_20 = arith.mulf %convert_element_type3A_16, %mul3A : vector<1584x1600xf32>
    %reduce_sum3A = arith.constant dense<0.000000e+00> : vector<1584xf32>
    %reduce_sum3A_21 = vector.multi_reduction <add>, %mul3A_20, %reduce_sum3A [1] : vector<1584x1600xf32> to vector<1584xf32>
    %broadcast_in_dim3A = vector.shape_cast %reduce_sum3A_21 : vector<1584xf32> to vector<1584x1xf32>
    %convert_element_type3A_22 = arith.fptosi %broadcast_in_dim3A : vector<1584x1xf32> to vector<1584x1xi32>
    %lt3A = arith.constant 1.000000e-01 : f32
    %lt3A_23 = vector.broadcast %lt3A : f32 to vector<1584x1xf32>
    %lt3A_24 = arith.cmpf olt, %slice3A, %lt3A_23 : vector<1584x1xf32>
    %get3A_25 = arith.constant 0 : index
    %get3A_26 = arith.constant 0 : index
    %get3A_27 = vector.load %arg6[%get3A_25, %get3A_26] : memref<1584x1xf32, #tpu.memory_space<vmem>>, vector<1584x1xf32>
    %lt3A_28 = arith.constant 0.899999976 : f32
    %lt3A_29 = vector.broadcast %lt3A_28 : f32 to vector<1584x1xf32>
    %lt3A_30 = arith.cmpf olt, %get3A_27, %lt3A_29 : vector<1584x1xf32>
    %and3A = arith.andi %lt3A_24, %lt3A_30 : vector<1584x1xi1>
    %get3A_31 = arith.constant 0 : index
    %get3A_32 = arith.constant 0 : index
    %get3A_33 = vector.load %arg5[%get3A_31, %get3A_32] : memref<1584x1xf32, #tpu.memory_space<vmem>>, vector<1584x1xf32>
    %lt3A_34 = arith.constant 2.000000e-01 : f32
    %lt3A_35 = vector.broadcast %lt3A_34 : f32 to vector<1584x1xf32>
    %lt3A_36 = arith.cmpf olt, %get3A_33, %lt3A_35 : vector<1584x1xf32>
    %jit3A = arith.constant 1.000000e+00 : f32
    %jit3A_37 = arith.constant 2.000000e+00 : f32
    %broadcast_in_dim3A_38 = vector.broadcast %jit3A : f32 to vector<1584x1xf32>
    %broadcast_in_dim3A_39 = vector.broadcast %jit3A_37 : f32 to vector<1584x1xf32>
    %select_n3A = arith.select %lt3A_36, %broadcast_in_dim3A_38, %broadcast_in_dim3A_39 : vector<1584x1xi1>, vector<1584x1xf32>
    %jit3A_40 = arith.constant 0.000000e+00 : f32
    %broadcast_in_dim3A_41 = vector.broadcast %jit3A_40 : f32 to vector<1584x1xf32>
    %select_n3A_42 = arith.select %and3A, %broadcast_in_dim3A_41, %select_n3A : vector<1584x1xi1>, vector<1584x1xf32>
    %reduce_sum3A_43 = vector.shape_cast %select_n3A_42 : vector<1584x1xf32> to vector<1x1584x1xf32>
    %reduce_sum3A_44 = arith.constant dense<0.000000e+00> : vector<1xf32>
    %reduce_sum3A_45 = vector.multi_reduction <add>, %reduce_sum3A_43, %reduce_sum3A_44 [1, 2] : vector<1x1584x1xf32> to vector<1xf32>
    %reduce_sum3A_46 = vector.shape_cast %reduce_sum3A_45 : vector<1xf32> to vector<1x1x1xf32>
    %reduce_sum3A_47 = vector.extract %reduce_sum3A_46[0, 0, 0] : f32 from vector<1x1x1xf32>
    %add3A = arith.constant 9.99999974E-5 : f32
    %add3A_48 = arith.addf %reduce_sum3A_47, %add3A : f32
    %reduce_max3A = arith.constant dense<0xFF800000> : vector<1584xf32>
    %reduce_max3A_49 = vector.multi_reduction <maximumf>, %slice3A_9, %reduce_max3A [1] : vector<1584x81xf32> to vector<1584xf32>
    %broadcast_in_dim3A_50 = vector.shape_cast %reduce_max3A_49 : vector<1584xf32> to vector<1584x1xf32>
    %sub3A = vector.broadcast %broadcast_in_dim3A_50 : vector<1584x1xf32> to vector<1584x81xf32>
    %sub3A_51 = arith.subf %slice3A_9, %sub3A : vector<1584x81xf32>
    %exp3A = math.exp %sub3A_51 : vector<1584x81xf32>
    %reduce_sum3A_52 = arith.constant dense<0.000000e+00> : vector<1584xf32>
    %reduce_sum3A_53 = vector.multi_reduction <add>, %exp3A, %reduce_sum3A_52 [1] : vector<1584x81xf32> to vector<1584xf32>
    %broadcast_in_dim3A_54 = vector.shape_cast %reduce_sum3A_53 : vector<1584xf32> to vector<1584x1xf32>
    %log3A = math.log %broadcast_in_dim3A_54 : vector<1584x1xf32>
    %add3A_55 = arith.addf %broadcast_in_dim3A_50, %log3A : vector<1584x1xf32>
    %iota3A_56 = tpu.iota {dimensions = array<i32: 1>} : vector<1584x81xi32>
    %eq3A_57 = vector.broadcast %convert_element_type3A_22 : vector<1584x1xi32> to vector<1584x81xi32>
    %eq3A_58 = arith.cmpi eq, %iota3A_56, %eq3A_57 : vector<1584x81xi32>
    %jit3A_59 = arith.constant 0.000000e+00 : f32
    %broadcast_in_dim3A_60 = vector.broadcast %jit3A_59 : f32 to vector<1584x81xf32>
    %select_n3A_61 = arith.select %eq3A_58, %slice3A_9, %broadcast_in_dim3A_60 : vector<1584x81xi1>, vector<1584x81xf32>
    %reduce_sum3A_62 = arith.constant dense<0.000000e+00> : vector<1584xf32>
    %reduce_sum3A_63 = vector.multi_reduction <add>, %select_n3A_61, %reduce_sum3A_62 [1] : vector<1584x81xf32> to vector<1584xf32>
    %broadcast_in_dim3A_64 = vector.shape_cast %reduce_sum3A_63 : vector<1584xf32> to vector<1584x1xf32>
    %sub3A_65 = arith.subf %add3A_55, %broadcast_in_dim3A_64 : vector<1584x1xf32>
    %mul3A_66 = arith.mulf %sub3A_65, %select_n3A_42 : vector<1584x1xf32>
    %reduce_sum3A_67 = vector.shape_cast %mul3A_66 : vector<1584x1xf32> to vector<1x1584x1xf32>
    %reduce_sum3A_68 = arith.constant dense<0.000000e+00> : vector<1xf32>
    %reduce_sum3A_69 = vector.multi_reduction <add>, %reduce_sum3A_67, %reduce_sum3A_68 [1, 2] : vector<1x1584x1xf32> to vector<1xf32>
    %reduce_sum3A_70 = vector.shape_cast %reduce_sum3A_69 : vector<1xf32> to vector<1x1x1xf32>
    %reduce_sum3A_71 = vector.extract %reduce_sum3A_70[0, 0, 0] : f32 from vector<1x1x1xf32>
    %div3A = arith.divf %reduce_sum3A_71, %add3A_48 : f32
    %get3A_72 = arith.constant 0 : index
    %get3A_73 = arith.constant 0 : index
    %get3A_74 = vector.load %arg4[%get3A_72, %get3A_73] : memref<1x1584xf32, #tpu.memory_space<vmem>>, vector<1x1584xf32>
    %sub3A_75 = vector.broadcast %slice3A_8 : vector<1584x1xf32> to vector<1584x1584xf32>
    %sub3A_76 = vector.broadcast %get3A_74 : vector<1x1584xf32> to vector<1584x1584xf32>
    %sub3A_77 = arith.subf %sub3A_75, %sub3A_76 : vector<1584x1584xf32>
    %abs3A = math.absf %sub3A_77 : vector<1584x1584xf32>
    %lt3A_78 = arith.constant 1.000000e-01 : f32
    %lt3A_79 = vector.broadcast %lt3A_78 : f32 to vector<1584x1584xf32>
    %lt3A_80 = arith.cmpf olt, %abs3A, %lt3A_79 : vector<1584x1584xf32>
    %mul3A_81 = arith.mulf %abs3A, %abs3A : vector<1584x1584xf32>
    %mul3A_82 = arith.constant 5.000000e+00 : f32
    %mul3A_83 = vector.broadcast %mul3A_82 : f32 to vector<1584x1584xf32>
    %mul3A_84 = arith.mulf %mul3A_81, %mul3A_83 : vector<1584x1584xf32>
    %sub3A_85 = arith.constant 5.000000e-02 : f32
    %sub3A_86 = vector.broadcast %sub3A_85 : f32 to vector<1584x1584xf32>
    %sub3A_87 = arith.subf %abs3A, %sub3A_86 : vector<1584x1584xf32>
    %select_n3A_88 = arith.select %lt3A_80, %mul3A_84, %sub3A_87 : vector<1584x1584xi1>, vector<1584x1584xf32>
    %dot_general3A_89 = arith.constant dense<0.000000e+00> : vector<1584x1xf32>
    %dot_general3A_90 = tpu.matmul %select_n3A_88, %select_n3A_42, %dot_general3A_89 {dimension_numbers = #tpu.dot_dimension_numbers<[1], [0], [0], [1], [0, 0, 1, 1], [], []>, transpose_lhs_hint = false} : vector<1584x1584xf32>, vector<1584x1xf32>, vector<1584x1xf32> -> vector<1584x1xf32>
    %reduce_sum3A_91 = vector.shape_cast %dot_general3A_90 : vector<1584x1xf32> to vector<1x1584x1xf32>
    %reduce_sum3A_92 = arith.constant dense<0.000000e+00> : vector<1xf32>
    %reduce_sum3A_93 = vector.multi_reduction <add>, %reduce_sum3A_91, %reduce_sum3A_92 [1, 2] : vector<1x1584x1xf32> to vector<1xf32>
    %reduce_sum3A_94 = vector.shape_cast %reduce_sum3A_93 : vector<1xf32> to vector<1x1x1xf32>
    %reduce_sum3A_95 = vector.extract %reduce_sum3A_94[0, 0, 0] : f32 from vector<1x1x1xf32>
    %div3A_96 = arith.divf %reduce_sum3A_95, %add3A_48 : f32
    %reshape3A = vector.broadcast %div3A_96 : f32 to vector<1x1xf32>
    %swap3A = arith.constant 0 : index
    %swap3A_97 = arith.constant 0 : index
    %swap3A_98 = vector.load %arg7[%swap3A, %swap3A_97] : memref<1x1xf32, #tpu.memory_space<vmem>>, vector<1x1xf32>
    tpu.vector_store %arg7[%swap3A, %swap3A_97], %reshape3A {strides = array<i32>} : memref<1x1xf32, #tpu.memory_space<vmem>>, vector<1x1xf32>,
    %reshape3A_99 = vector.broadcast %div3A : f32 to vector<1x1xf32>
    %swap3A_100 = arith.constant 0 : index
    %swap3A_101 = arith.constant 0 : index
    %swap3A_102 = vector.load %arg8[%swap3A_100, %swap3A_101] : memref<1x1xf32, #tpu.memory_space<vmem>>, vector<1x1xf32>
    tpu.vector_store %arg8[%swap3A_100, %swap3A_101], %reshape3A_99 {strides = array<i32>} : memref<1x1xf32, #tpu.memory_space<vmem>>, vector<1x1xf32>,
    return
  }
}

</mosaic_0001>

<sc_bundles>
// kernel: sparse-core-data-format-call.cloned.1.call-start
scs
called_computation_lowered:
.L_overlay_start_0:
0x0: {  	s2 =	sld [smem:$0x3FD9]  }
0x1: {  	s3 =	sld [smem:$0x3FFE];
	_ =	sdelay $0x1  }
0x2: {  	s1 =	srdreg.scid  }
0x3: {  	s0 =	sand.u32 $0x1, s1  }
0x4: {  	s18 =	sshll.u32 s0, $0xA;
	s2 =	sadd.s32 s3, s2  }
0x5: {  	s2 =	sadd.s32 s2, s18  }
0x6: {  	[smem:$0x3FC2] =	sst s2  }
0x7: {  	_ = 	snop  }
0x8: {  	s2 =	sld [smem:$0x3FC6];
	(tm) =	ssettm $0x1  }
0x9: {  	s19 =	sld [smem:$0x3FFB];
	_ =	sdelay $0x3  }
0xa: {  	_ =	strace s19  }
0xb: {  	s3 =	sld [smem:$0x3FFC];
	_ =	sdelay $0x3  }
0xc: {  	_ =	strace s3  }
0xd: {  	s3 =	sld [smem:$0x3FFD];
	_ =	sdelay $0x3  }
0xe: {  	_ =	strace s3  }
0xf: {  	_ =	strace $0x8FFFFFFF  }
0x10: {  	s20 =	sld [smem:$0x3FDB];
	_ =	sdelay $0x1  }
0x11: {  	s4 =	simm.s32 $_scs_section_size  }
0x12: {  	s5 =	simm.s32 $_size__tile_overlayer_lowered;
	s6 =	simm.s32 $_tile_overlayer_lowered  }
0x13: {  	s23 =	simm.s32 $0x1BFF;
	s22 =	sshll.u32 s6, $0x1;
	s3 =	sadd.s32 s4, s20  }
0x14: {  	s7 =	simm.s32 $0x0;
	s21 =	sshll.u32 s5, $0x1;
	s5 =	sadd.s32 s22, s3  }
0x15: {  	[timem:s7], [sflag:s23] =	dma.local [hbm:s5], s21  }
0x16: {  	_ =	swait.ge [sflag:s23], s21  }
0x17: {  	s4 =	ssub.s32 $0x0, s21;
	[sflag:s23] =	ssyncset.done $0x0  }
0x18: {  	[sflag:s23] =	ssyncadd.s32 s4;
	_ =	sdelay $0x1  }
0x19: {  	s24 =	simm.s32 $0x1B8B  }
0x1a: {  	_ =	swait.ge [sflag:s24], $0x1  }
0x1b: {  	[sflag:s24] =	ssyncset.done $0x0  }
0x1c: {  	s26 =	simm.s32 $0x1B8E;
	s25 =	sld [smem:$0x3FFE];
	[sflag:s24] =	ssyncadd.s32 $0xFFFFFFFF  }
0x1d: {  	s27 =	simm.s32 $execute0_lowered;
	[smem:$0x3FD2] =	sst s26  }
0x1e: {  	s5 =	sshll.u32 s27, $0x1;
	_ =	strace $0x80000046;
	[dreg:$0x1] =	wrdreg $0xFFFFFFFF  }
0x1f: {  	s28 =	simm.s32 $_size_execute0_lowered;
	s3 =	sadd.s32 s3, s5;
	[dreg:$0x0] =	wrdreg $0x0  }
0x20: {  	s5 =	sshll.u32 s28, $0x1;
	[dreg:$0x2] =	wrdreg s3  }
0x21: {  	[dreg:$0x3] =	wrdreg s5  }
0x22: {  	[dreg:$0x4] =	wrdreg $0xC0  }
0x23: {  	_ =	task [dreg:s7], $0x5FFFF  }
0x24: {  	[dreg:$0x1] =	wrdreg $0xFFFFFFFF  }
0x25: {  	[dreg:$0x0] =	wrdreg $0x60  }
0x26: {  	[dreg:$0x2] =	wrdreg s2  }
0x27: {  	[dreg:$0x3] =	wrdreg s25  }
0x28: {  	[dreg:$0x4] =	wrdreg $0x9  }
0x29: {  	_ =	task.clear_ibuf [dreg:s7], $0x5FFFF;
	_ =	strace $0x90000046  }
0x2a: {  	s29 =	simm.s32 $0x9;
	_ =	strace $0x80000048  }
0x2b: {  	_ =	swait.ge [sflag:s29], $0x1  }
0x2c: {  	[sflag:s29] =	ssyncadd.s32 $0xFFFFFFFF  }
0x2d: {  	_ =	strace $0x90000048  }
0x2e: {  	_ =	sfence  }
0x2f: {  	s30 =	sld [smem:$0x0];
	_ =	sdelay $0x2  }
0x30: {  	s31 =	sshll.u32 s1, $0xD;
	s1 =	sshrl.u32 s1, $0x2  }
0x31: {  	s3 =	sand.u32 $0x4000, s31;
	s1 =	sadd.s32 s1, s30  }
0x32: {  	s0 =	sor.u32 s3, s0;
	s1 =	sshll.u32 s1, $0x11  }
0x33: {  	s0 =	sor.u32 s1, s0  }
0x34: {  	s0 =	sadd.s32 $0x8F2B, s0  }
0x35: {  	[sflag:s0] =	ssyncadd.remote.s32 $0x1  }
0x36: {  	_ =	sfence.sel $0xFFFF  }
0x37: {  	[dreg:$0x0] =	wrdreg $0xFFFFFFFF;
	(pc) =	sbr.abs _section_cstart, $3  }
0x38: {  	[dreg:$0x1] =	wrdreg $0xFFFFFFFF  }
0x39: {  	_ =	task.clear_ibuf [dreg:s7], $0x2FFFF;
	_ =	strace $0x9FFFFFFF  }
0x3a: {  	(tm) =	ssettm $0x7FFFFFFF  }
0x3b: {  	_ =	shalt  }
tec
execute0_lowered:
.L_overlay_start_1:
0x0: {  	(tag) =	ssettag $0x1  }
0x1: {  	s6 =	rddreg [dreg:$0x0];
	s0 =	srdreg.scid  }
0x2: {  	s2 =	rddreg [dreg:$0x1];
	s1 =	stileid.u32;
	s4 =	simm.s32 $0x1  }
0x3: {  	s7 =	simm.s32 $0x2;
	s11 =	simm.s32 $0x0;
	p0 =	por $0x0, $0x0  }
0x4: {  	s12 =	simm.s32 $0x0;
	s9 =	simm.s32 $0x0;
	s3 =	sshll.u32 s0, $0x4  }
.Ltmp0:
0x5: {  	s0 =	rddreg [dreg:$0x2];
	s3 =	sand.u32 $0x10, s3;
	(pc) =	sbr.rel .LBB1_1-.Ltmp0, $4  }
0x6: {  	_ =	strace $0x80000047;
	s2 =	sadd.s32 $0x400, s2;
	s3 =	sor.u32 s1, s3  }
0x7: {  	s5 =	sand.u32 $0x3, s1;
	[sflag:s4] =	ssyncpa.u1 $0x0;
	s3 =	sshrl.u32 s3, $0x2  }
0x8: {  	s10 =	smov.u32 s5;
	[sflag:s7] =	ssyncpa.u1 $0x0;
	s8 =	sshll.u32 s3, $0xB  }
0x9: {  	s7 =	simm.s32 $0x80;
	s6 =	sadd.s32 s6, s8;
	s8 =	simm.s32 $0x400  }
.LBB1_5:
0xa: {  	s13 =	sadd.s32 $0x4, s10  }
0xb: {  	p1 =	slt.u32 s9, $0x2;
	s9 =	sadd.s32 $0x1, s9;
	p2 =	sgt.s32 s13, $0xC7  }
0xc: {  	s13 =	smov.u32 @p2 s5;
	p2 =	sne.s32 s9, $0x34  }
.Ltmp1:
0xd: {  	_ = 	snop;
	(pc) =	sbr.rel @!p2 .LBB1_6-.Ltmp1, $4  }
0xe: {  	s11 =	simm.s32 @!p1 $0x2  }
0xf: {  	_ =	swait.ge @!p1 [sflag:s11], $0x4000  }
0x10: {  	s12 =	smov.u32 s10;
	p0 =	por !p0, !p0;
	[sflag:s11] =	ssyncset.done @!p1 $0x0  }
0x11: {  	s10 =	smov.u32 s13;
	[sflag:s11] =	ssyncadd.s32 @!p1 $0xFFFFC000;
	s11 =	smov.u32 s3  }
.LBB1_1:
0x12: {  	p1 =	sgt.u32 s9, $0x31  }
0x13: {  	s13 =	sxor.u32 @!p1 $0xFFFFFFFF, s9  }
0x14: {  	s14 =	sshll.u32 @!p1 s10, $0xE;
	s13 =	sshll.u32 @!p1 s13, $0xE  }
0x15: {  	s15 =	simm.s32 @!p1 $0x0;
	s14 =	sadd.s32 @!p1 s14, s6;
	s13 =	sand.u32 @!p1 $0x4000, s13  }
0x16: {  	[tilespmem:s13], [sflag:$0x1] =	stream.linear.gather @!p1 [hbm4b:s14+s15], $0x4000, $0x38;
	[tilespmem:$0x10000] =	vst v63  }
0x17: {  	p1 =	seq.s32 s9, $0x0  }
0x18: {  	p2 =	seq.s32 @!p1 s9, $0x33  }
0x19: {  	p1 =	por p1, p2  }
.Ltmp2:
0x1a: {  	_ = 	snop;
	(pc) =	sbr.rel @p1 .LBB1_5-.Ltmp2, $1  }
0x1b: {  	_ =	sdelay $0x3  }
0x1c: {  	s13 =	simm.s32 $0x1  }
0x1d: {  	s13 =	simm.s32 @!p0 $0x0  }
0x1e: {  	s13 =	sshll.u32 s13, $0xE  }
0x1f: {  	s14 =	sor.u32 $0x40, s13  }
0x20: {  	v1 =	vmov s14;
	_ =	sdelay $0x1  }
0x21: {  	_ =	swait.ge [sflag:s4], $0x4000  }
0x22: {  	[sflag:s4] =	ssyncset.done $0x0  }
0x23: {  	[sflag:s4] =	ssyncadd.s32 $0xFFFFC000;
	s14 =	simm.s32 $0x0  }
0x24: {  	s13 =	sor.u32 $0x8070, s13;
	v7 =	vld.idx.msk [tilespmem:v1+s14+$0x30 ss:$0x1], $0xffff  }
0x25: {  	v0 =	vmov s13;
	v8 =	vld.idx.msk [tilespmem:v1+s14+$0xFFFFFFC0 ss:$0x1], $0xffff  }
0x26: {  	v6 =	vld.idx.msk [tilespmem:v1+s14+$0xFFFFFFD0 ss:$0x1], $0xffff  }
0x27: {  	v4 =	vld.idx.msk [tilespmem:v1+s14+$0xFFFFFFE0 ss:$0x1], $0xffff  }
0x28: {  	v2 =	vld.idx.msk [tilespmem:v1+s14+$0xFFFFFFF0 ss:$0x1], $0xffff  }
0x29: {  	s31 =	sshll.u32 s9, $0xE;
	v3 =	vld.idx.msk [tilespmem:v1+s14+$0x0 ss:$0x1], $0xffff  }
0x2a: {  	s13 =	sand.u32 $0x4000, s31;
	v5 =	vld.idx.msk [tilespmem:v1+s14+$0x10 ss:$0x1], $0xffff;
	[tilespmem:v0+s14+$0x0 ss:$0x1] =	vst.idx.msk $0xffff, v7  }
0x2b: {  	s15 =	simm.s32 $0x80;
	s16 =	simm.s32 $0x400;
	s13 =	sor.u32 $0x8000, s13;
	[tilespmem:v0+s14+$0xFFFFFF90 ss:$0x1] =	vst.idx.msk $0xffff, v8;
	v7 =	vld.idx.msk [tilespmem:v1+s14+$0x20 ss:$0x1], $0xffff  }
.LBB1_3:
0x2c: {  	p1 =	sne.s32 s16, $0xFE00;
	v8 =	vld.idx.msk [tilespmem:v1+s15+$0x30 ss:$0x1], $0xffff;
	[tilespmem:v0+s14+$0xFFFFFFA0 ss:$0x1] =	vst.idx.msk $0xffff, v6  }
0x2d: {  	v9 =	vld.idx.msk [tilespmem:v1+s15+$0xFFFFFFC0 ss:$0x1], $0xffff;
	[tilespmem:v0+s14+$0xFFFFFFB0 ss:$0x1] =	vst.idx.msk $0xffff, v4  }
0x2e: {  	v6 =	vld.idx.msk [tilespmem:v1+s15+$0xFFFFFFD0 ss:$0x1], $0xffff;
	[tilespmem:v0+s14+$0xFFFFFFC0 ss:$0x1] =	vst.idx.msk $0xffff, v2  }
.Ltmp3:
0x2f: {  	v4 =	vld.idx.msk [tilespmem:v1+s15+$0xFFFFFFE0 ss:$0x1], $0xffff;
	[tilespmem:v0+s14+$0xFFFFFFD0 ss:$0x1] =	vst.idx.msk $0xffff, v3;
	(pc) =	sbr.rel @p1 .LBB1_3-.Ltmp3, $4  }
0x30: {  	v2 =	vld.idx.msk [tilespmem:v1+s15+$0xFFFFFFF0 ss:$0x1], $0xffff;
	[tilespmem:v0+s14+$0xFFFFFFE0 ss:$0x1] =	vst.idx.msk $0xffff, v5  }
0x31: {  	v3 =	vld.idx.msk [tilespmem:v1+s15+$0x0 ss:$0x1], $0xffff;
	[tilespmem:v0+s14+$0xFFFFFFF0 ss:$0x1] =	vst.idx.msk $0xffff, v7;
	s14 =	smov.u32 s15  }
0x32: {  	v5 =	vld.idx.msk [tilespmem:v1+s14+$0x10 ss:$0x1], $0xffff;
	[tilespmem:v0+s14+$0x0 ss:$0x1] =	vst.idx.msk $0xffff, v8  }
0x33: {  	s15 =	sshra.s32 s16, $0x2;
	s16 =	sadd.s32 $0x200, s16;
	[tilespmem:v0+s14+$0xFFFFFF90 ss:$0x1] =	vst.idx.msk $0xffff, v9;
	v7 =	vld.idx.msk [tilespmem:v1+s14+$0x20 ss:$0x1], $0xffff  }
0x34: {  	_ =	sdelay $0x3  }
0x35: {  	[tilespmem:v0+s14+$0xFFFFFFA0 ss:$0x1] =	vst.idx.msk $0xffff, v6  }
0x36: {  	v56 =	vld.idx.msk [tilespmem:v1+s15+$0x30 ss:$0x1], $0xffff;
	[tilespmem:v0+s14+$0xFFFFFFB0 ss:$0x1] =	vst.idx.msk $0xffff, v4  }
0x37: {  	v57 =	vld.idx.msk [tilespmem:v1+s15+$0xFFFFFFC0 ss:$0x1], $0xffff;
	[tilespmem:v0+s14+$0xFFFFFFC0 ss:$0x1] =	vst.idx.msk $0xffff, v2  }
0x38: {  	v58 =	vld.idx.msk [tilespmem:v1+s15+$0xFFFFFFD0 ss:$0x1], $0xffff;
	[tilespmem:v0+s14+$0xFFFFFFD0 ss:$0x1] =	vst.idx.msk $0xffff, v3  }
0x39: {  	v59 =	vld.idx.msk [tilespmem:v1+s15+$0xFFFFFFE0 ss:$0x1], $0xffff;
	[tilespmem:v0+s14+$0xFFFFFFE0 ss:$0x1] =	vst.idx.msk $0xffff, v5  }
0x3a: {  	v60 =	vld.idx.msk [tilespmem:v1+s15+$0xFFFFFFF0 ss:$0x1], $0xffff;
	[tilespmem:v0+s14+$0xFFFFFFF0 ss:$0x1] =	vst.idx.msk $0xffff, v7  }
0x3b: {  	v61 =	vld.idx.msk [tilespmem:v1+s15+$0x0 ss:$0x1], $0xffff;
	[tilespmem:v0+s15+$0x0 ss:$0x1] =	vst.idx.msk $0xffff, v56  }
0x3c: {  	v62 =	vld.idx.msk [tilespmem:v1+s15+$0x10 ss:$0x1], $0xffff;
	[tilespmem:v0+s15+$0xFFFFFF90 ss:$0x1] =	vst.idx.msk $0xffff, v57  }
0x3d: {  	v63 =	vld.idx.msk [tilespmem:v1+s15+$0x20 ss:$0x1], $0xffff;
	[tilespmem:v0+s15+$0xFFFFFFA0 ss:$0x1] =	vst.idx.msk $0xffff, v58  }
0x3e: {  	[tilespmem:v0+s15+$0xFFFFFFB0 ss:$0x1] =	vst.idx.msk $0xffff, v59  }
.Ltmp4:
0x3f: {  	[tilespmem:v0+s15+$0xFFFFFFC0 ss:$0x1] =	vst.idx.msk $0xffff, v60;
	(pc) =	sbr.rel .LBB1_5-.Ltmp4, $4  }
0x40: {  	s12 =	sshll.u32 s12, $0xE;
	s11 =	sshll.u32 s11, $0x4;
	[tilespmem:v0+s15+$0xFFFFFFD0 ss:$0x1] =	vst.idx.msk $0xffff, v61  }
0x41: {  	s11 =	sand.u32 $0x70, s11;
	s12 =	sadd.s32 s2, s12;
	[tilespmem:v0+s15+$0xFFFFFFE0 ss:$0x1] =	vst.idx.msk $0xffff, v62  }
0x42: {  	s11 =	sadd.s32 s11, s12;
	[tilespmem:v0+s15+$0xFFFFFFF0 ss:$0x1] =	vst.idx.msk $0xffff, v63  }
0x43: {  	[hbm4b:s11+s7] =	stream.strided.scatter [tilespmem:s13], [sflag:$0x2], $0x4000, s8, s7, $0x38;
	[tilespmem:$0x10000] =	vst v63  }
.LBB1_6:
0x44: {  	_ =	sfence.sel $0x180000  }
0x45: {  	s2 =	simm.s32 $0x1;
	[bflag:$0x0] =	sbarrier.arrive $0xFFFF  }
0x46: {  	s31 =	simm.s32 $0x2;
	[sflag:s2] =	ssyncpa.u1 $0x1  }
0x47: {  	[sflag:s31] =	ssyncpa.u1 $0x1  }
0x48: {  	p0 =	sne.s32 s1, $0x0;
	_ =	strace $0x90000047  }
0x49: {  	s0 =	sadd.s32 @!p0 $0x100000, s0;
	[bflag:$0x2] =	sbarrier.arrive $0xFFFF  }
0x4a: {  	[sflag:s0] =	ssyncadd.tile.s32 @!p0 $0x1;
	_ =	shalt  }
.Lfunc_end1:
_tile_overlayer_lowered:
.L_overlay_start_2:
0x4b: {  	(tag) =	ssettag $0x2  }
0x4c: {  	s0 =	rddreg [dreg:$0x0];
	s2 =	stileid.u32  }
0x4d: {  	s1 =	rddreg [dreg:$0x1];
	p0 =	sne.s32 s2, $0x0  }
0x4e: {  	s3 =	rddreg [dreg:$0x2];
	[bflag:$0x3] =	sbarrier.arrive $0xFFFF;
	s2 =	simm.s32 @!p0 $0x1C01  }
0x4f: {  	[timem:s3], [sflag:s2] =	dma.local @!p0 [hbm:s0], s1  }
0x50: {  	s0 =	simm.s32 @!p0 $0x1  }
0x51: {  	_ =	swait.ge @!p0 [sflag:s0], s1  }
0x52: {  	s1 =	ssub.s32 @!p0 $0x0, s1;
	[sflag:s0] =	ssyncset.done @!p0 $0x0  }
0x53: {  	[sflag:s0] =	ssyncadd.s32 @!p0 s1  }
0x54: {  	[bflag:$0x3] =	sbarrier.arrive $0xFFFF  }
0x55: {  	_ =	shalt  }

</sc_bundles>
